<compile_context>
chip_gen: v7x
topology: tpu7x:2x2x1
jax: 0.10.2.dev20260603
libtpu: 0.0.44.dev20260713+nightly
codegen_flags: <defaults>
</compile_context>

<pallas_src>
import jax
import jax.numpy as jnp
from jax import lax
from jax.experimental import pallas as pl
from jax.experimental.pallas import tpu as pltpu
from jax.experimental.pallas import tpu_sc as plsc

B = 64
N = 8192
K = 32
L = 16
MARGIN = 10.0
NEG = -1e30
BIG = 1e30
CHUNKS = N // L


def _rank_loss_body(logits_hbm, idx_hbm, stage_hbm,
                    xrow0, xrow1, memf, idxv, mark, cvals, pbuf,
                    sem0, sem1, semi):
    cid = lax.axis_index("c")
    sid = lax.axis_index("s")
    f32 = jnp.float32
    zeros = jnp.zeros((L,), f32)
    iota = lax.iota(jnp.int32, L)

    wid = cid * 16 + sid
    b0 = wid * 2
    cp0 = pltpu.async_copy(logits_hbm.at[b0], xrow0, sem0)
    cp1 = pltpu.async_copy(logits_hbm.at[b0 + 1], xrow1, sem1)
    cpi = pltpu.async_copy(idx_hbm.at[pl.ds(b0, 2)], idxv, semi)

    cp0.wait()
    cp1.wait()

    @plsc.parallel_loop(0, CHUNKS, unroll=8,
                        carry=(zeros, jnp.full((L,), BIG, f32),
                               zeros, jnp.full((L,), BIG, f32)))
    def stats(i, carry):
        sx0, mn0, sx1, mn1 = carry
        x0 = xrow0[pl.ds(i * L, L)]
        x1 = xrow1[pl.ds(i * L, L)]
        return (sx0 + x0, jnp.minimum(mn0, x0),
                sx1 + x1, jnp.minimum(mn1, x1))

    sx0v, mn0v, sx1v, mn1v = stats
    cpi.wait()

    partialv = zeros
    for r, xrow, sxv, mnv in ((0, xrow0, sx0v, mn0v), (1, xrow1, sx1v, mn1v)):
        ia = idxv[r, pl.ds(0, L)]
        ib = idxv[r, pl.ds(L, L)]

        plsc.store_scatter(mark, [ia], iota)
        plsc.store_scatter(mark, [ib], iota + L)
        wa = jnp.where(plsc.load_gather(mark, [ia]) == iota, 1.0, 0.0)
        wb = jnp.where(plsc.load_gather(mark, [ib]) == iota + L, 1.0, 0.0)

        ca = plsc.load_gather(xrow, [ia])
        cb = plsc.load_gather(xrow, [ib])
        dka = MARGIN - ca
        dkb = MARGIN - cb

        n_unique = jnp.sum(wa + wb)
        unique_sum = jnp.sum(wa * ca + wb * cb)
        maxc = jnp.max(jnp.maximum(ca, cb))

        n_inc = jnp.float32(N) - n_unique
        sx_inc = jnp.sum(sxv) - unique_sum
        min_all = jnp.min(mnv)

        all_nonneg = min_all + MARGIN - maxc >= 0.0

        sxb = jnp.full((L,), sx_inc)
        nincb = jnp.full((L,), n_inc)
        pbuf[...] = (sxb + nincb * dka) + (sxb + nincb * dkb)

        @pl.when(jnp.logical_not(all_nonneg))
        def _():
            cvals[pl.ds(0, L)] = ca
            cvals[pl.ds(L, L)] = cb

            def mask_chunk(i, _):
                memf[pl.ds(i * L, L)] = xrow[pl.ds(i * L, L)]
                return 0

            lax.fori_loop(0, CHUNKS, mask_chunk, 0)
            negs = jnp.full((L,), NEG, f32)
            plsc.store_scatter(memf, [ia], negs)
            plsc.store_scatter(memf, [ib], negs)

            def per_k(k, totalv):
                dkv = MARGIN - plsc.load_gather(
                    cvals, [jnp.full((L,), k, jnp.int32)])

                def scan_chunk(i, acc):
                    return acc + jnp.maximum(memf[pl.ds(i * L, L)] + dkv, 0.0)

                return totalv + lax.fori_loop(0, CHUNKS, scan_chunk, zeros)

            pbuf[...] = lax.fori_loop(0, K, per_k, zeros)

        denv = jnp.full((L,), jnp.float32(K * B)) * nincb
        partialv = partialv + pbuf[...] / denv

    pbuf[...] = partialv
    pltpu.sync_copy(pbuf, stage_hbm.at[cid, sid])


def kernel(logits, padded_correct_indices):
    mesh = plsc.VectorSubcoreMesh(core_axis_name="c", subcore_axis_name="s")
    stage = pl.kernel(
        _rank_loss_body,
        out_type=jax.ShapeDtypeStruct((2, 16, L), jnp.float32),
        mesh=mesh,
        scratch_types=[
            pltpu.VMEM((N,), jnp.float32),
            pltpu.VMEM((N,), jnp.float32),
            pltpu.VMEM((N,), jnp.float32),
            pltpu.VMEM((2, K), jnp.int32),
            pltpu.VMEM((N,), jnp.int32),
            pltpu.VMEM((2 * K,), jnp.float32),
            pltpu.VMEM((L,), jnp.float32),
            pltpu.SemaphoreType.DMA,
            pltpu.SemaphoreType.DMA,
            pltpu.SemaphoreType.DMA,
        ],
        compiler_params=pltpu.CompilerParams(needs_layout_passes=False),
    )(logits, padded_correct_indices)
    return jnp.sum(stage)

# --- scband reference (transcript-rebuilt; emitter-appended) ---
"""Pipeline reference for scband-custom-rank-loss-19628000543050 (READ-ONLY COPY).

The authoritative reference and input builder live on the scoring server;
editing this copy changes nothing except your own understanding.
"""

import jax, jax.numpy as jnp
import numpy as np


def setup_inputs(seed: int = 0) -> dict:
    key = jax.random.key(seed)
    k1, k2 = jax.random.split(key)
    logits = jax.random.normal(k1, (64, 8192), dtype=jnp.float32)
    padded_correct_indices = jax.random.randint(k2, (64, 32), 0, 8192, dtype=jnp.int32)
    return {"logits": logits, "padded_correct_indices": padded_correct_indices}


def reference(logits, padded_correct_indices):
    margin = 10.0
    B, N = logits.shape
    idx = padded_correct_indices
    valid = idx >= 0  # [B, K]
    idx_c = jnp.where(valid, idx, 0)
    rows = jnp.arange(B)[:, None]
    # membership mask over classes: True where class index appears among valid correct indices
    member_counts = jnp.zeros((B, N), dtype=jnp.int32).at[rows, idx_c].add(valid.astype(jnp.int32))
    member = member_counts > 0  # [B, N]
    inc_mask = ~member  # incorrect-class mask (isin invert=True semantics)
    # correct logits, keeping duplicates exactly like torch gather
    correct = jnp.take_along_axis(logits, idx_c, axis=1)  # [B, K]
    # pairwise hinge: relu(margin + incorrect[None,:] - correct[:,None]) per example
    pair = jax.nn.relu(margin + logits[:, None, :] - correct[:, :, None])  # [B, K, N]
    pmask = (valid[:, :, None] & inc_mask[:, None, :]).astype(logits.dtype)
    sums = jnp.sum(pair * pmask, axis=(1, 2))  # [B]
    n_valid = jnp.sum(valid, axis=1).astype(logits.dtype)
    n_inc = jnp.sum(inc_mask, axis=1).astype(logits.dtype)
    loss_i = sums / (n_valid * n_inc)  # mean over (n_valid x n_inc) pairs
    return jnp.sum(loss_i) / B

if __name__ == "__main__":
    import jax
    _d = setup_inputs()
    print(jax.jit(kernel)(*tuple(_d.values())))

</pallas_src>

<mosaic_0001>
#map = affine_map<(d0, d1) -> (0, 0)>
#map1 = affine_map<(d0, d1) -> (0, 0, 0)>
module attributes {stable_mosaic.version = 14 : i64} {
  func.func @_rank_loss_body(%arg0: i32, %arg1: i32, %arg2: memref<64x8192xf32, #tpu.memory_space<hbm>>, %arg3: memref<64x32xi32, #tpu.memory_space<hbm>>, %arg4: memref<2x16x16xf32, #tpu.memory_space<hbm>>, %arg5: memref<8192xf32, #tpu.memory_space<vmem>>, %arg6: memref<8192xf32, #tpu.memory_space<vmem>>, %arg7: memref<8192xf32, #tpu.memory_space<vmem>>, %arg8: memref<2x32xi32, #tpu.memory_space<vmem>>, %arg9: memref<8192xi32, #tpu.memory_space<vmem>>, %arg10: memref<64xf32, #tpu.memory_space<vmem>>, %arg11: memref<16xf32, #tpu.memory_space<vmem>>, %arg12: memref<!tpu.dma_semaphore, #tpu.memory_space<semaphore_mem>>, %arg13: memref<!tpu.dma_semaphore, #tpu.memory_space<semaphore_mem>>, %arg14: memref<!tpu.dma_semaphore, #tpu.memory_space<semaphore_mem>>) attributes {dimension_semantics = [#tpu.dimension_semantics<core_parallel>, #tpu.dimension_semantics<subcore_parallel>], iteration_bounds = array<i64: 2, 16>, scalar_prefetch = 0 : i64, scratch_operands = 10 : i64, tpu.core_type = #tpu.core_type<sc_vector_subcore>, window_params = [{transform_indices = #map}, {transform_indices = #map}, {transform_indices = #map1}]} {
    %broadcast_in_dim3A = arith.constant 0.000000e+00 : f32
    %broadcast_in_dim3A_0 = vector.broadcast %broadcast_in_dim3A : f32 to vector<16xf32>
    %iota3A = tpu.iota {dimensions = array<i32: 0>} : vector<16xi32>
    %mul3A = arith.constant 16 : i32
    %mul3A_1 = arith.muli %arg0, %mul3A : i32
    %add3A = arith.addi %mul3A_1, %arg1 : i32
    %mul3A_2 = arith.constant 2 : i32
    %mul3A_3 = arith.muli %add3A, %mul3A_2 : i32
    %dma_start3A = arith.constant 0 : i32
    %dma_start3A_4 = tpu.memref_slice %arg2[%mul3A_3, %dma_start3A] : memref<64x8192xf32, #tpu.memory_space<hbm>> -> memref<1x8192xf32, #tpu.memory_space<hbm>>
    %dma_start3A_5 = tpu.memref_squeeze %dma_start3A_4 : memref<1x8192xf32, #tpu.memory_space<hbm>> -> memref<8192xf32, #tpu.memory_space<hbm>>
    %dma_start3A_6 = arith.constant 0 : i32
    %dma_start3A_7 = tpu.memref_slice %arg2[%mul3A_3, %dma_start3A_6] : memref<64x8192xf32, #tpu.memory_space<hbm>> -> memref<1x8192xf32, #tpu.memory_space<hbm>>
    %dma_start3A_8 = tpu.memref_squeeze %dma_start3A_7 : memref<1x8192xf32, #tpu.memory_space<hbm>> -> memref<8192xf32, #tpu.memory_space<hbm>>
    tpu.enqueue_dma source(%dma_start3A_8 : memref<8192xf32, #tpu.memory_space<hbm>>) target(%arg5 : memref<8192xf32, #tpu.memory_space<vmem>>) target_semaphore(%arg12 : memref<!tpu.dma_semaphore, #tpu.memory_space<semaphore_mem>>)
    %add3A_9 = arith.constant 1 : i32
    %add3A_10 = arith.addi %mul3A_3, %add3A_9 : i32
    %dma_start3A_11 = arith.constant 0 : i32
    %dma_start3A_12 = tpu.memref_slice %arg2[%add3A_10, %dma_start3A_11] : memref<64x8192xf32, #tpu.memory_space<hbm>> -> memref<1x8192xf32, #tpu.memory_space<hbm>>
    %dma_start3A_13 = tpu.memref_squeeze %dma_start3A_12 : memref<1x8192xf32, #tpu.memory_space<hbm>> -> memref<8192xf32, #tpu.memory_space<hbm>>
    %dma_start3A_14 = arith.constant 0 : i32
    %dma_start3A_15 = tpu.memref_slice %arg2[%add3A_10, %dma_start3A_14] : memref<64x8192xf32, #tpu.memory_space<hbm>> -> memref<1x8192xf32, #tpu.memory_space<hbm>>
    %dma_start3A_16 = tpu.memref_squeeze %dma_start3A_15 : memref<1x8192xf32, #tpu.memory_space<hbm>> -> memref<8192xf32, #tpu.memory_space<hbm>>
    tpu.enqueue_dma source(%dma_start3A_16 : memref<8192xf32, #tpu.memory_space<hbm>>) target(%arg6 : memref<8192xf32, #tpu.memory_space<vmem>>) target_semaphore(%arg13 : memref<!tpu.dma_semaphore, #tpu.memory_space<semaphore_mem>>)
    %dma_start3A_17 = arith.constant 0 : i32
    %dma_start3A_18 = tpu.memref_slice %arg3[%mul3A_3, %dma_start3A_17] : memref<64x32xi32, #tpu.memory_space<hbm>> -> memref<2x32xi32, #tpu.memory_space<hbm>>
    %dma_start3A_19 = arith.constant 0 : i32
    %dma_start3A_20 = tpu.memref_slice %arg3[%mul3A_3, %dma_start3A_19] : memref<64x32xi32, #tpu.memory_space<hbm>> -> memref<2x32xi32, #tpu.memory_space<hbm>>
    tpu.enqueue_dma source(%dma_start3A_20 : memref<2x32xi32, #tpu.memory_space<hbm>>) target(%arg8 : memref<2x32xi32, #tpu.memory_space<vmem>>) target_semaphore(%arg14 : memref<!tpu.dma_semaphore, #tpu.memory_space<semaphore_mem>>)
    %dma_wait3A = arith.constant 0 : i32
    %dma_wait3A_21 = tpu.memref_slice %arg2[%mul3A_3, %dma_wait3A] : memref<64x8192xf32, #tpu.memory_space<hbm>> -> memref<1x8192xf32, #tpu.memory_space<hbm>>
    %dma_wait3A_22 = tpu.memref_squeeze %dma_wait3A_21 : memref<1x8192xf32, #tpu.memory_space<hbm>> -> memref<8192xf32, #tpu.memory_space<hbm>>
    %dma_wait3A_23 = arith.constant 0 : i32
    %dma_wait3A_24 = tpu.memref_slice %arg2[%mul3A_3, %dma_wait3A_23] : memref<64x8192xf32, #tpu.memory_space<hbm>> -> memref<1x8192xf32, #tpu.memory_space<hbm>>
    %dma_wait3A_25 = tpu.memref_squeeze %dma_wait3A_24 : memref<1x8192xf32, #tpu.memory_space<hbm>> -> memref<8192xf32, #tpu.memory_space<hbm>>
    tpu.wait_dma2 semaphore(%arg12 : memref<!tpu.dma_semaphore, #tpu.memory_space<semaphore_mem>>) src(%dma_wait3A_25 : memref<8192xf32, #tpu.memory_space<hbm>>) dst(%arg5 : memref<8192xf32, #tpu.memory_space<vmem>>)
    %dma_wait3A_26 = arith.constant 0 : i32
    %dma_wait3A_27 = tpu.memref_slice %arg2[%add3A_10, %dma_wait3A_26] : memref<64x8192xf32, #tpu.memory_space<hbm>> -> memref<1x8192xf32, #tpu.memory_space<hbm>>
    %dma_wait3A_28 = tpu.memref_squeeze %dma_wait3A_27 : memref<1x8192xf32, #tpu.memory_space<hbm>> -> memref<8192xf32, #tpu.memory_space<hbm>>
    %dma_wait3A_29 = arith.constant 0 : i32
    %dma_wait3A_30 = tpu.memref_slice %arg2[%add3A_10, %dma_wait3A_29] : memref<64x8192xf32, #tpu.memory_space<hbm>> -> memref<1x8192xf32, #tpu.memory_space<hbm>>
    %dma_wait3A_31 = tpu.memref_squeeze %dma_wait3A_30 : memref<1x8192xf32, #tpu.memory_space<hbm>> -> memref<8192xf32, #tpu.memory_space<hbm>>
    tpu.wait_dma2 semaphore(%arg13 : memref<!tpu.dma_semaphore, #tpu.memory_space<semaphore_mem>>) src(%dma_wait3A_31 : memref<8192xf32, #tpu.memory_space<hbm>>) dst(%arg6 : memref<8192xf32, #tpu.memory_space<vmem>>)
    %broadcast_in_dim3A_32 = arith.constant 1.000000e+30 : f32
    %broadcast_in_dim3A_33 = vector.broadcast %broadcast_in_dim3A_32 : f32 to vector<16xf32>
    %broadcast_in_dim3A_34 = arith.constant 1.000000e+30 : f32
    %broadcast_in_dim3A_35 = vector.broadcast %broadcast_in_dim3A_34 : f32 to vector<16xf32>
    %parallel_loop3A = arith.constant 0 : i32
    %parallel_loop3A_36 = arith.constant 512 : i32
    %parallel_loop3A_37 = arith.constant 1 : i32
    %parallel_loop3A_38:4 = scf.for %parallel_loop3A_209 = %parallel_loop3A to %parallel_loop3A_36 step %parallel_loop3A_37 iter_args(%parallel_loop3A_210 = %broadcast_in_dim3A_0, %parallel_loop3A_211 = %broadcast_in_dim3A_33, %parallel_loop3A_212 = %broadcast_in_dim3A_0, %parallel_loop3A_213 = %broadcast_in_dim3A_35) -> (vector<16xf32>, vector<16xf32>, vector<16xf32>, vector<16xf32>)  : i32 {
      %parallel_loop3A_214 = arith.constant 16 : i32
      %parallel_loop3A_215 = arith.muli %parallel_loop3A_209, %parallel_loop3A_214 : i32
      %parallel_loop3A_216 = arith.index_cast %parallel_loop3A_215 : i32 to index
      %parallel_loop3A_217 = tpu.vector_load %arg5[%parallel_loop3A_216] {strides = array<i32>} : memref<8192xf32, #tpu.memory_space<vmem>>, vector<16xf32>,
      %parallel_loop3A_218 = arith.constant 16 : i32
      %parallel_loop3A_219 = arith.muli %parallel_loop3A_209, %parallel_loop3A_218 : i32
      %parallel_loop3A_220 = arith.index_cast %parallel_loop3A_219 : i32 to index
      %parallel_loop3A_221 = tpu.vector_load %arg6[%parallel_loop3A_220] {strides = array<i32>} : memref<8192xf32, #tpu.memory_space<vmem>>, vector<16xf32>,
      %parallel_loop3A_222 = arith.addf %parallel_loop3A_210, %parallel_loop3A_217 : vector<16xf32>
      %parallel_loop3A_223 = arith.minimumf %parallel_loop3A_211, %parallel_loop3A_217 : vector<16xf32>
      %parallel_loop3A_224 = arith.addf %parallel_loop3A_212, %parallel_loop3A_221 : vector<16xf32>
      %parallel_loop3A_225 = arith.minimumf %parallel_loop3A_213, %parallel_loop3A_221 : vector<16xf32>
      scf.yield %parallel_loop3A_222, %parallel_loop3A_223, %parallel_loop3A_224, %parallel_loop3A_225 : vector<16xf32>, vector<16xf32>, vector<16xf32>, vector<16xf32>
    } {sc.loop_unroll_factor = 8 : i64, sc.parallel_access}
    %dma_wait3A_39 = arith.constant 0 : i32
    %dma_wait3A_40 = tpu.memref_slice %arg3[%mul3A_3, %dma_wait3A_39] : memref<64x32xi32, #tpu.memory_space<hbm>> -> memref<2x32xi32, #tpu.memory_space<hbm>>
    %dma_wait3A_41 = arith.constant 0 : i32
    %dma_wait3A_42 = tpu.memref_slice %arg3[%mul3A_3, %dma_wait3A_41] : memref<64x32xi32, #tpu.memory_space<hbm>> -> memref<2x32xi32, #tpu.memory_space<hbm>>
    tpu.wait_dma2 semaphore(%arg14 : memref<!tpu.dma_semaphore, #tpu.memory_space<semaphore_mem>>) src(%dma_wait3A_42 : memref<2x32xi32, #tpu.memory_space<hbm>>) dst(%arg8 : memref<2x32xi32, #tpu.memory_space<vmem>>)
    %get3A = arith.constant 0 : i32
    %get3A_43 = arith.index_cast %get3A : i32 to index
    %get3A_44 = arith.constant 0 : index
    %get3A_45 = tpu.vector_load %arg8[%get3A_43, %get3A_44] {strides = array<i32>} : memref<2x32xi32, #tpu.memory_space<vmem>>, vector<16xi32>,
    %get3A_46 = arith.constant 0 : i32
    %get3A_47 = arith.index_cast %get3A_46 : i32 to index
    %get3A_48 = arith.constant 16 : index
    %get3A_49 = tpu.vector_load %arg8[%get3A_47, %get3A_48] {strides = array<i32>} : memref<2x32xi32, #tpu.memory_space<vmem>>, vector<16xi32>,
    tpu.vector_store_idx %arg9[%get3A_45], %iota3A : memref<8192xi32, #tpu.memory_space<vmem>>[vector<16xi32>], vector<16xi32>,
    %add3A_50 = arith.constant 16 : i32
    %add3A_51 = vector.broadcast %add3A_50 : i32 to vector<16xi32>
    %add3A_52 = arith.addi %iota3A, %add3A_51 : vector<16xi32>
    tpu.vector_store_idx %arg9[%get3A_49], %add3A_52 : memref<8192xi32, #tpu.memory_space<vmem>>[vector<16xi32>], vector<16xi32>,
    %gather3A = tpu.vector_load_idx %arg9[%get3A_45] : memref<8192xi32, #tpu.memory_space<vmem>>[vector<16xi32>], vector<16xi32>,
    %eq3A = arith.cmpi eq, %gather3A, %iota3A : vector<16xi32>
    %jit3A = arith.constant 1.000000e+00 : f32
    %jit3A_53 = arith.constant 0.000000e+00 : f32
    %broadcast_in_dim3A_54 = vector.broadcast %jit3A : f32 to vector<16xf32>
    %broadcast_in_dim3A_55 = vector.broadcast %jit3A_53 : f32 to vector<16xf32>
    %select_n3A = arith.select %eq3A, %broadcast_in_dim3A_54, %broadcast_in_dim3A_55 : vector<16xi1>, vector<16xf32>
    %gather3A_56 = tpu.vector_load_idx %arg9[%get3A_49] : memref<8192xi32, #tpu.memory_space<vmem>>[vector<16xi32>], vector<16xi32>,
    %add3A_57 = arith.constant 16 : i32
    %add3A_58 = vector.broadcast %add3A_57 : i32 to vector<16xi32>
    %add3A_59 = arith.addi %iota3A, %add3A_58 : vector<16xi32>
    %eq3A_60 = arith.cmpi eq, %gather3A_56, %add3A_59 : vector<16xi32>
    %jit3A_61 = arith.constant 1.000000e+00 : f32
    %jit3A_62 = arith.constant 0.000000e+00 : f32
    %broadcast_in_dim3A_63 = vector.broadcast %jit3A_61 : f32 to vector<16xf32>
    %broadcast_in_dim3A_64 = vector.broadcast %jit3A_62 : f32 to vector<16xf32>
    %select_n3A_65 = arith.select %eq3A_60, %broadcast_in_dim3A_63, %broadcast_in_dim3A_64 : vector<16xi1>, vector<16xf32>
    %gather3A_66 = tpu.vector_load_idx %arg5[%get3A_45] : memref<8192xf32, #tpu.memory_space<vmem>>[vector<16xi32>], vector<16xf32>,
    %gather3A_67 = tpu.vector_load_idx %arg5[%get3A_49] : memref<8192xf32, #tpu.memory_space<vmem>>[vector<16xi32>], vector<16xf32>,
    %sub3A = arith.constant 1.000000e+01 : f32
    %sub3A_68 = vector.broadcast %sub3A : f32 to vector<16xf32>
    %sub3A_69 = arith.subf %sub3A_68, %gather3A_66 : vector<16xf32>
    %sub3A_70 = arith.constant 1.000000e+01 : f32
    %sub3A_71 = vector.broadcast %sub3A_70 : f32 to vector<16xf32>
    %sub3A_72 = arith.subf %sub3A_71, %gather3A_67 : vector<16xf32>
    %add3A_73 = arith.addf %select_n3A, %select_n3A_65 : vector<16xf32>
    %reduce_sum3A = arith.constant true
    %reduce_sum3A_74 = vector.broadcast %reduce_sum3A : i1 to vector<16xi1>
    %reduce_sum3A_75 = tpu.scan <sum>, %add3A_73 masked %reduce_sum3A_74 : vector<16xf32>, vector<16xi1> -> vector<16xf32>
    %reduce_sum3A_76 = vector.extract %reduce_sum3A_75[15] : f32 from vector<16xf32>
    %mul3A_77 = arith.mulf %select_n3A, %gather3A_66 : vector<16xf32>
    %mul3A_78 = arith.mulf %select_n3A_65, %gather3A_67 : vector<16xf32>
    %add3A_79 = arith.addf %mul3A_77, %mul3A_78 : vector<16xf32>
    %reduce_sum3A_80 = arith.constant true
    %reduce_sum3A_81 = vector.broadcast %reduce_sum3A_80 : i1 to vector<16xi1>
    %reduce_sum3A_82 = tpu.scan <sum>, %add3A_79 masked %reduce_sum3A_81 : vector<16xf32>, vector<16xi1> -> vector<16xf32>
    %reduce_sum3A_83 = vector.extract %reduce_sum3A_82[15] : f32 from vector<16xf32>
    %max3A = arith.maximumf %gather3A_66, %gather3A_67 : vector<16xf32>
    %reduce_max3A = arith.constant true
    %reduce_max3A_84 = vector.broadcast %reduce_max3A : i1 to vector<16xi1>
    %reduce_max3A_85 = tpu.scan <max>, %max3A masked %reduce_max3A_84 : vector<16xf32>, vector<16xi1> -> vector<16xf32>
    %reduce_max3A_86 = vector.extract %reduce_max3A_85[15] : f32 from vector<16xf32>
    %sub3A_87 = arith.constant 8.192000e+03 : f32
    %sub3A_88 = arith.subf %sub3A_87, %reduce_sum3A_76 : f32
    %reduce_sum3A_89 = arith.constant true
    %reduce_sum3A_90 = vector.broadcast %reduce_sum3A_89 : i1 to vector<16xi1>
    %reduce_sum3A_91 = tpu.scan <sum>, %parallel_loop3A_38#0 masked %reduce_sum3A_90 : vector<16xf32>, vector<16xi1> -> vector<16xf32>
    %reduce_sum3A_92 = vector.extract %reduce_sum3A_91[15] : f32 from vector<16xf32>
    %sub3A_93 = arith.subf %reduce_sum3A_92, %reduce_sum3A_83 : f32
    %reduce_min3A = arith.constant true
    %reduce_min3A_94 = vector.broadcast %reduce_min3A : i1 to vector<16xi1>
    %reduce_min3A_95 = tpu.scan <min>, %parallel_loop3A_38#1 masked %reduce_min3A_94 : vector<16xf32>, vector<16xi1> -> vector<16xf32>
    %reduce_min3A_96 = vector.extract %reduce_min3A_95[15] : f32 from vector<16xf32>
    %add3A_97 = arith.constant 1.000000e+01 : f32
    %add3A_98 = arith.addf %reduce_min3A_96, %add3A_97 : f32
    %sub3A_99 = arith.subf %add3A_98, %reduce_max3A_86 : f32
    %ge3A = arith.constant 0.000000e+00 : f32
    %ge3A_100 = arith.cmpf oge, %sub3A_99, %ge3A : f32
    %broadcast_in_dim3A_101 = vector.broadcast %sub3A_93 : f32 to vector<16xf32>
    %broadcast_in_dim3A_102 = vector.broadcast %sub3A_88 : f32 to vector<16xf32>
    %mul3A_103 = arith.mulf %broadcast_in_dim3A_102, %sub3A_69 : vector<16xf32>
    %add3A_104 = arith.addf %broadcast_in_dim3A_101, %mul3A_103 : vector<16xf32>
    %mul3A_105 = arith.mulf %broadcast_in_dim3A_102, %sub3A_72 : vector<16xf32>
    %add3A_106 = arith.addf %broadcast_in_dim3A_101, %mul3A_105 : vector<16xf32>
    %add3A_107 = arith.addf %add3A_104, %add3A_106 : vector<16xf32>
    %swap3A = arith.constant 0 : index
    %swap3A_108 = tpu.vector_load %arg11[%swap3A] {strides = array<i32>} : memref<16xf32, #tpu.memory_space<vmem>>, vector<16xf32>,
    tpu.vector_store %arg11[%swap3A], %add3A_107 {strides = array<i32>} : memref<16xf32, #tpu.memory_space<vmem>>, vector<16xf32>,
    %not3A = arith.constant true
    %not3A_109 = arith.xori %ge3A_100, %not3A : i1
    %convert_element_type3A = arith.extui %not3A_109 : i1 to i32
    %cond3A = arith.constant 0 : i32
    %cond3A_110 = arith.cmpi ne, %convert_element_type3A, %cond3A : i32
    scf.if %cond3A_110 {
      %swap3A_209 = arith.constant 0 : index
      %swap3A_210 = tpu.vector_load %arg10[%swap3A_209] {strides = array<i32>} : memref<64xf32, #tpu.memory_space<vmem>>, vector<16xf32>,
      tpu.vector_store %arg10[%swap3A_209], %gather3A_66 {strides = array<i32>} : memref<64xf32, #tpu.memory_space<vmem>>, vector<16xf32>,
      %swap3A_211 = arith.constant 16 : index
      %swap3A_212 = tpu.vector_load %arg10[%swap3A_211] {strides = array<i32>} : memref<64xf32, #tpu.memory_space<vmem>>, vector<16xf32>,
      tpu.vector_store %arg10[%swap3A_211], %gather3A_67 {strides = array<i32>} : memref<64xf32, #tpu.memory_space<vmem>>, vector<16xf32>,
      %scan3A = arith.constant 0 : i32
      %scan3A_213 = arith.constant 0 : i32
      %scan3A_214 = arith.constant 512 : i32
      %scan3A_215 = arith.addi %scan3A_213, %scan3A_214 : i32
      %scan3A_216 = arith.constant 1 : i32
      %scan3A_217 = scf.for %scan3A_229 = %scan3A_213 to %scan3A_215 step %scan3A_216 iter_args(%scan3A_230 = %scan3A) -> (i32)  : i32 {
        %mul3A_231 = arith.constant 16 : i32
        %mul3A_232 = arith.muli %scan3A_229, %mul3A_231 : i32
        %get3A_233 = arith.index_cast %mul3A_232 : i32 to index
        %get3A_234 = tpu.vector_load %arg5[%get3A_233] {strides = array<i32>} : memref<8192xf32, #tpu.memory_space<vmem>>, vector<16xf32>,
        %mul3A_235 = arith.constant 16 : i32
        %mul3A_236 = arith.muli %scan3A_229, %mul3A_235 : i32
        %swap3A_237 = arith.index_cast %mul3A_236 : i32 to index
        %swap3A_238 = tpu.vector_load %arg7[%swap3A_237] {strides = array<i32>} : memref<8192xf32, #tpu.memory_space<vmem>>, vector<16xf32>,
        tpu.vector_store %arg7[%swap3A_237], %get3A_234 {strides = array<i32>} : memref<8192xf32, #tpu.memory_space<vmem>>, vector<16xf32>,
        %scan3A_239 = arith.constant 0 : i32
        scf.yield %scan3A_239 : i32
      }
      %scan3A_218 = arith.constant 512 : i32
      %broadcast_in_dim3A_219 = arith.constant -1.000000e+30 : f32
      %broadcast_in_dim3A_220 = vector.broadcast %broadcast_in_dim3A_219 : f32 to vector<16xf32>
      tpu.vector_store_idx %arg7[%get3A_45], %broadcast_in_dim3A_220 : memref<8192xf32, #tpu.memory_space<vmem>>[vector<16xi32>], vector<16xf32>,
      tpu.vector_store_idx %arg7[%get3A_49], %broadcast_in_dim3A_220 : memref<8192xf32, #tpu.memory_space<vmem>>[vector<16xi32>], vector<16xf32>,
      %scan3A_221 = arith.constant 0 : i32
      %scan3A_222 = arith.constant 32 : i32
      %scan3A_223 = arith.addi %scan3A_221, %scan3A_222 : i32
      %scan3A_224 = arith.constant 1 : i32
      %scan3A_225 = scf.for %scan3A_229 = %scan3A_221 to %scan3A_223 step %scan3A_224 iter_args(%scan3A_230 = %broadcast_in_dim3A_0) -> (vector<16xf32>)  : i32 {
        %broadcast_in_dim3A_231 = vector.broadcast %scan3A_229 : i32 to vector<16xi32>
        %gather3A_232 = tpu.vector_load_idx %arg10[%broadcast_in_dim3A_231] : memref<64xf32, #tpu.memory_space<vmem>>[vector<16xi32>], vector<16xf32>,
        %sub3A_233 = arith.constant 1.000000e+01 : f32
        %sub3A_234 = vector.broadcast %sub3A_233 : f32 to vector<16xf32>
        %sub3A_235 = arith.subf %sub3A_234, %gather3A_232 : vector<16xf32>
        %scan3A_236 = arith.constant 0 : i32
        %scan3A_237 = arith.constant 512 : i32
        %scan3A_238 = arith.addi %scan3A_236, %scan3A_237 : i32
        %scan3A_239 = arith.constant 1 : i32
        %scan3A_240 = scf.for %scan3A_243 = %scan3A_236 to %scan3A_238 step %scan3A_239 iter_args(%scan3A_244 = %broadcast_in_dim3A_0) -> (vector<16xf32>)  : i32 {
          %mul3A_245 = arith.constant 16 : i32
          %mul3A_246 = arith.muli %scan3A_243, %mul3A_245 : i32
          %get3A_247 = arith.index_cast %mul3A_246 : i32 to index
          %get3A_248 = tpu.vector_load %arg7[%get3A_247] {strides = array<i32>} : memref<8192xf32, #tpu.memory_space<vmem>>, vector<16xf32>,
          %add3A_249 = arith.addf %get3A_248, %sub3A_235 : vector<16xf32>
          %max3A_250 = arith.constant 0.000000e+00 : f32
          %max3A_251 = vector.broadcast %max3A_250 : f32 to vector<16xf32>
          %max3A_252 = arith.maximumf %add3A_249, %max3A_251 : vector<16xf32>
          %add3A_253 = arith.addf %scan3A_244, %max3A_252 : vector<16xf32>
          scf.yield %add3A_253 : vector<16xf32>
        }
        %scan3A_241 = arith.constant 512 : i32
        %add3A_242 = arith.addf %scan3A_230, %scan3A_240 : vector<16xf32>
        scf.yield %add3A_242 : vector<16xf32>
      }
      %scan3A_226 = arith.constant 32 : i32
      %swap3A_227 = arith.constant 0 : index
      %swap3A_228 = tpu.vector_load %arg11[%swap3A_227] {strides = array<i32>} : memref<16xf32, #tpu.memory_space<vmem>>, vector<16xf32>,
      tpu.vector_store %arg11[%swap3A_227], %scan3A_225 {strides = array<i32>} : memref<16xf32, #tpu.memory_space<vmem>>, vector<16xf32>,
    } else {
    }
    %broadcast_in_dim3A_111 = arith.constant 2.048000e+03 : f32
    %broadcast_in_dim3A_112 = vector.broadcast %broadcast_in_dim3A_111 : f32 to vector<16xf32>
    %mul3A_113 = arith.mulf %broadcast_in_dim3A_112, %broadcast_in_dim3A_102 : vector<16xf32>
    %get3A_114 = arith.constant 0 : index
    %get3A_115 = tpu.vector_load %arg11[%get3A_114] {strides = array<i32>} : memref<16xf32, #tpu.memory_space<vmem>>, vector<16xf32>,
    %div3A = arith.divf %get3A_115, %mul3A_113 : vector<16xf32>
    %add3A_116 = arith.addf %broadcast_in_dim3A_0, %div3A : vector<16xf32>
    %get3A_117 = arith.constant 1 : i32
    %get3A_118 = arith.index_cast %get3A_117 : i32 to index
    %get3A_119 = arith.constant 0 : index
    %get3A_120 = tpu.vector_load %arg8[%get3A_118, %get3A_119] {strides = array<i32>} : memref<2x32xi32, #tpu.memory_space<vmem>>, vector<16xi32>,
    %get3A_121 = arith.constant 1 : i32
    %get3A_122 = arith.index_cast %get3A_121 : i32 to index
    %get3A_123 = arith.constant 16 : index
    %get3A_124 = tpu.vector_load %arg8[%get3A_122, %get3A_123] {strides = array<i32>} : memref<2x32xi32, #tpu.memory_space<vmem>>, vector<16xi32>,
    tpu.vector_store_idx %arg9[%get3A_120], %iota3A : memref<8192xi32, #tpu.memory_space<vmem>>[vector<16xi32>], vector<16xi32>,
    %add3A_125 = arith.constant 16 : i32
    %add3A_126 = vector.broadcast %add3A_125 : i32 to vector<16xi32>
    %add3A_127 = arith.addi %iota3A, %add3A_126 : vector<16xi32>
    tpu.vector_store_idx %arg9[%get3A_124], %add3A_127 : memref<8192xi32, #tpu.memory_space<vmem>>[vector<16xi32>], vector<16xi32>,
    %gather3A_128 = tpu.vector_load_idx %arg9[%get3A_120] : memref<8192xi32, #tpu.memory_space<vmem>>[vector<16xi32>], vector<16xi32>,
    %eq3A_129 = arith.cmpi eq, %gather3A_128, %iota3A : vector<16xi32>
    %jit3A_130 = arith.constant 1.000000e+00 : f32
    %jit3A_131 = arith.constant 0.000000e+00 : f32
    %broadcast_in_dim3A_132 = vector.broadcast %jit3A_130 : f32 to vector<16xf32>
    %broadcast_in_dim3A_133 = vector.broadcast %jit3A_131 : f32 to vector<16xf32>
    %select_n3A_134 = arith.select %eq3A_129, %broadcast_in_dim3A_132, %broadcast_in_dim3A_133 : vector<16xi1>, vector<16xf32>
    %gather3A_135 = tpu.vector_load_idx %arg9[%get3A_124] : memref<8192xi32, #tpu.memory_space<vmem>>[vector<16xi32>], vector<16xi32>,
    %add3A_136 = arith.constant 16 : i32
    %add3A_137 = vector.broadcast %add3A_136 : i32 to vector<16xi32>
    %add3A_138 = arith.addi %iota3A, %add3A_137 : vector<16xi32>
    %eq3A_139 = arith.cmpi eq, %gather3A_135, %add3A_138 : vector<16xi32>
    %jit3A_140 = arith.constant 1.000000e+00 : f32
    %jit3A_141 = arith.constant 0.000000e+00 : f32
    %broadcast_in_dim3A_142 = vector.broadcast %jit3A_140 : f32 to vector<16xf32>
    %broadcast_in_dim3A_143 = vector.broadcast %jit3A_141 : f32 to vector<16xf32>
    %select_n3A_144 = arith.select %eq3A_139, %broadcast_in_dim3A_142, %broadcast_in_dim3A_143 : vector<16xi1>, vector<16xf32>
    %gather3A_145 = tpu.vector_load_idx %arg6[%get3A_120] : memref<8192xf32, #tpu.memory_space<vmem>>[vector<16xi32>], vector<16xf32>,
    %gather3A_146 = tpu.vector_load_idx %arg6[%get3A_124] : memref<8192xf32, #tpu.memory_space<vmem>>[vector<16xi32>], vector<16xf32>,
    %sub3A_147 = arith.constant 1.000000e+01 : f32
    %sub3A_148 = vector.broadcast %sub3A_147 : f32 to vector<16xf32>
    %sub3A_149 = arith.subf %sub3A_148, %gather3A_145 : vector<16xf32>
    %sub3A_150 = arith.constant 1.000000e+01 : f32
    %sub3A_151 = vector.broadcast %sub3A_150 : f32 to vector<16xf32>
    %sub3A_152 = arith.subf %sub3A_151, %gather3A_146 : vector<16xf32>
    %add3A_153 = arith.addf %select_n3A_134, %select_n3A_144 : vector<16xf32>
    %reduce_sum3A_154 = arith.constant true
    %reduce_sum3A_155 = vector.broadcast %reduce_sum3A_154 : i1 to vector<16xi1>
    %reduce_sum3A_156 = tpu.scan <sum>, %add3A_153 masked %reduce_sum3A_155 : vector<16xf32>, vector<16xi1> -> vector<16xf32>
    %reduce_sum3A_157 = vector.extract %reduce_sum3A_156[15] : f32 from vector<16xf32>
    %mul3A_158 = arith.mulf %select_n3A_134, %gather3A_145 : vector<16xf32>
    %mul3A_159 = arith.mulf %select_n3A_144, %gather3A_146 : vector<16xf32>
    %add3A_160 = arith.addf %mul3A_158, %mul3A_159 : vector<16xf32>
    %reduce_sum3A_161 = arith.constant true
    %reduce_sum3A_162 = vector.broadcast %reduce_sum3A_161 : i1 to vector<16xi1>
    %reduce_sum3A_163 = tpu.scan <sum>, %add3A_160 masked %reduce_sum3A_162 : vector<16xf32>, vector<16xi1> -> vector<16xf32>
    %reduce_sum3A_164 = vector.extract %reduce_sum3A_163[15] : f32 from vector<16xf32>
    %max3A_165 = arith.maximumf %gather3A_145, %gather3A_146 : vector<16xf32>
    %reduce_max3A_166 = arith.constant true
    %reduce_max3A_167 = vector.broadcast %reduce_max3A_166 : i1 to vector<16xi1>
    %reduce_max3A_168 = tpu.scan <max>, %max3A_165 masked %reduce_max3A_167 : vector<16xf32>, vector<16xi1> -> vector<16xf32>
    %reduce_max3A_169 = vector.extract %reduce_max3A_168[15] : f32 from vector<16xf32>
    %sub3A_170 = arith.constant 8.192000e+03 : f32
    %sub3A_171 = arith.subf %sub3A_170, %reduce_sum3A_157 : f32
    %reduce_sum3A_172 = arith.constant true
    %reduce_sum3A_173 = vector.broadcast %reduce_sum3A_172 : i1 to vector<16xi1>
    %reduce_sum3A_174 = tpu.scan <sum>, %parallel_loop3A_38#2 masked %reduce_sum3A_173 : vector<16xf32>, vector<16xi1> -> vector<16xf32>
    %reduce_sum3A_175 = vector.extract %reduce_sum3A_174[15] : f32 from vector<16xf32>
    %sub3A_176 = arith.subf %reduce_sum3A_175, %reduce_sum3A_164 : f32
    %reduce_min3A_177 = arith.constant true
    %reduce_min3A_178 = vector.broadcast %reduce_min3A_177 : i1 to vector<16xi1>
    %reduce_min3A_179 = tpu.scan <min>, %parallel_loop3A_38#3 masked %reduce_min3A_178 : vector<16xf32>, vector<16xi1> -> vector<16xf32>
    %reduce_min3A_180 = vector.extract %reduce_min3A_179[15] : f32 from vector<16xf32>
    %add3A_181 = arith.constant 1.000000e+01 : f32
    %add3A_182 = arith.addf %reduce_min3A_180, %add3A_181 : f32
    %sub3A_183 = arith.subf %add3A_182, %reduce_max3A_169 : f32
    %ge3A_184 = arith.constant 0.000000e+00 : f32
    %ge3A_185 = arith.cmpf oge, %sub3A_183, %ge3A_184 : f32
    %broadcast_in_dim3A_186 = vector.broadcast %sub3A_176 : f32 to vector<16xf32>
    %broadcast_in_dim3A_187 = vector.broadcast %sub3A_171 : f32 to vector<16xf32>
    %mul3A_188 = arith.mulf %broadcast_in_dim3A_187, %sub3A_149 : vector<16xf32>
    %add3A_189 = arith.addf %broadcast_in_dim3A_186, %mul3A_188 : vector<16xf32>
    %mul3A_190 = arith.mulf %broadcast_in_dim3A_187, %sub3A_152 : vector<16xf32>
    %add3A_191 = arith.addf %broadcast_in_dim3A_186, %mul3A_190 : vector<16xf32>
    %add3A_192 = arith.addf %add3A_189, %add3A_191 : vector<16xf32>
    %swap3A_193 = arith.constant 0 : index
    %swap3A_194 = tpu.vector_load %arg11[%swap3A_193] {strides = array<i32>} : memref<16xf32, #tpu.memory_space<vmem>>, vector<16xf32>,
    tpu.vector_store %arg11[%swap3A_193], %add3A_192 {strides = array<i32>} : memref<16xf32, #tpu.memory_space<vmem>>, vector<16xf32>,
    %not3A_195 = arith.constant true
    %not3A_196 = arith.xori %ge3A_185, %not3A_195 : i1
    %convert_element_type3A_197 = arith.extui %not3A_196 : i1 to i32
    %cond3A_198 = arith.constant 0 : i32
    %cond3A_199 = arith.cmpi ne, %convert_element_type3A_197, %cond3A_198 : i32
    scf.if %cond3A_199 {
      %swap3A_209 = arith.constant 0 : index
      %swap3A_210 = tpu.vector_load %arg10[%swap3A_209] {strides = array<i32>} : memref<64xf32, #tpu.memory_space<vmem>>, vector<16xf32>,
      tpu.vector_store %arg10[%swap3A_209], %gather3A_145 {strides = array<i32>} : memref<64xf32, #tpu.memory_space<vmem>>, vector<16xf32>,
      %swap3A_211 = arith.constant 16 : index
      %swap3A_212 = tpu.vector_load %arg10[%swap3A_211] {strides = array<i32>} : memref<64xf32, #tpu.memory_space<vmem>>, vector<16xf32>,
      tpu.vector_store %arg10[%swap3A_211], %gather3A_146 {strides = array<i32>} : memref<64xf32, #tpu.memory_space<vmem>>, vector<16xf32>,
      %scan3A = arith.constant 0 : i32
      %scan3A_213 = arith.constant 0 : i32
      %scan3A_214 = arith.constant 512 : i32
      %scan3A_215 = arith.addi %scan3A_213, %scan3A_214 : i32
      %scan3A_216 = arith.constant 1 : i32
      %scan3A_217 = scf.for %scan3A_229 = %scan3A_213 to %scan3A_215 step %scan3A_216 iter_args(%scan3A_230 = %scan3A) -> (i32)  : i32 {
        %mul3A_231 = arith.constant 16 : i32
        %mul3A_232 = arith.muli %scan3A_229, %mul3A_231 : i32
        %get3A_233 = arith.index_cast %mul3A_232 : i32 to index
        %get3A_234 = tpu.vector_load %arg6[%get3A_233] {strides = array<i32>} : memref<8192xf32, #tpu.memory_space<vmem>>, vector<16xf32>,
        %mul3A_235 = arith.constant 16 : i32
        %mul3A_236 = arith.muli %scan3A_229, %mul3A_235 : i32
        %swap3A_237 = arith.index_cast %mul3A_236 : i32 to index
        %swap3A_238 = tpu.vector_load %arg7[%swap3A_237] {strides = array<i32>} : memref<8192xf32, #tpu.memory_space<vmem>>, vector<16xf32>,
        tpu.vector_store %arg7[%swap3A_237], %get3A_234 {strides = array<i32>} : memref<8192xf32, #tpu.memory_space<vmem>>, vector<16xf32>,
        %scan3A_239 = arith.constant 0 : i32
        scf.yield %scan3A_239 : i32
      }
      %scan3A_218 = arith.constant 512 : i32
      %broadcast_in_dim3A_219 = arith.constant -1.000000e+30 : f32
      %broadcast_in_dim3A_220 = vector.broadcast %broadcast_in_dim3A_219 : f32 to vector<16xf32>
      tpu.vector_store_idx %arg7[%get3A_120], %broadcast_in_dim3A_220 : memref<8192xf32, #tpu.memory_space<vmem>>[vector<16xi32>], vector<16xf32>,
      tpu.vector_store_idx %arg7[%get3A_124], %broadcast_in_dim3A_220 : memref<8192xf32, #tpu.memory_space<vmem>>[vector<16xi32>], vector<16xf32>,
      %scan3A_221 = arith.constant 0 : i32
      %scan3A_222 = arith.constant 32 : i32
      %scan3A_223 = arith.addi %scan3A_221, %scan3A_222 : i32
      %scan3A_224 = arith.constant 1 : i32
      %scan3A_225 = scf.for %scan3A_229 = %scan3A_221 to %scan3A_223 step %scan3A_224 iter_args(%scan3A_230 = %broadcast_in_dim3A_0) -> (vector<16xf32>)  : i32 {
        %broadcast_in_dim3A_231 = vector.broadcast %scan3A_229 : i32 to vector<16xi32>
        %gather3A_232 = tpu.vector_load_idx %arg10[%broadcast_in_dim3A_231] : memref<64xf32, #tpu.memory_space<vmem>>[vector<16xi32>], vector<16xf32>,
        %sub3A_233 = arith.constant 1.000000e+01 : f32
        %sub3A_234 = vector.broadcast %sub3A_233 : f32 to vector<16xf32>
        %sub3A_235 = arith.subf %sub3A_234, %gather3A_232 : vector<16xf32>
        %scan3A_236 = arith.constant 0 : i32
        %scan3A_237 = arith.constant 512 : i32
        %scan3A_238 = arith.addi %scan3A_236, %scan3A_237 : i32
        %scan3A_239 = arith.constant 1 : i32
        %scan3A_240 = scf.for %scan3A_243 = %scan3A_236 to %scan3A_238 step %scan3A_239 iter_args(%scan3A_244 = %broadcast_in_dim3A_0) -> (vector<16xf32>)  : i32 {
          %mul3A_245 = arith.constant 16 : i32
          %mul3A_246 = arith.muli %scan3A_243, %mul3A_245 : i32
          %get3A_247 = arith.index_cast %mul3A_246 : i32 to index
          %get3A_248 = tpu.vector_load %arg7[%get3A_247] {strides = array<i32>} : memref<8192xf32, #tpu.memory_space<vmem>>, vector<16xf32>,
          %add3A_249 = arith.addf %get3A_248, %sub3A_235 : vector<16xf32>
          %max3A_250 = arith.constant 0.000000e+00 : f32
          %max3A_251 = vector.broadcast %max3A_250 : f32 to vector<16xf32>
          %max3A_252 = arith.maximumf %add3A_249, %max3A_251 : vector<16xf32>
          %add3A_253 = arith.addf %scan3A_244, %max3A_252 : vector<16xf32>
          scf.yield %add3A_253 : vector<16xf32>
        }
        %scan3A_241 = arith.constant 512 : i32
        %add3A_242 = arith.addf %scan3A_230, %scan3A_240 : vector<16xf32>
        scf.yield %add3A_242 : vector<16xf32>
      }
      %scan3A_226 = arith.constant 32 : i32
      %swap3A_227 = arith.constant 0 : index
      %swap3A_228 = tpu.vector_load %arg11[%swap3A_227] {strides = array<i32>} : memref<16xf32, #tpu.memory_space<vmem>>, vector<16xf32>,
      tpu.vector_store %arg11[%swap3A_227], %scan3A_225 {strides = array<i32>} : memref<16xf32, #tpu.memory_space<vmem>>, vector<16xf32>,
    } else {
    }
    %broadcast_in_dim3A_200 = arith.constant 2.048000e+03 : f32
    %broadcast_in_dim3A_201 = vector.broadcast %broadcast_in_dim3A_200 : f32 to vector<16xf32>
    %mul3A_202 = arith.mulf %broadcast_in_dim3A_201, %broadcast_in_dim3A_187 : vector<16xf32>
    %get3A_203 = arith.constant 0 : index
    %get3A_204 = tpu.vector_load %arg11[%get3A_203] {strides = array<i32>} : memref<16xf32, #tpu.memory_space<vmem>>, vector<16xf32>,
    %div3A_205 = arith.divf %get3A_204, %mul3A_202 : vector<16xf32>
    %add3A_206 = arith.addf %add3A_116, %div3A_205 : vector<16xf32>
    %swap3A_207 = arith.constant 0 : index
    %swap3A_208 = tpu.vector_load %arg11[%swap3A_207] {strides = array<i32>} : memref<16xf32, #tpu.memory_space<vmem>>, vector<16xf32>,
    tpu.vector_store %arg11[%swap3A_207], %add3A_206 {strides = array<i32>} : memref<16xf32, #tpu.memory_space<vmem>>, vector<16xf32>,
    "tpu.region"() ({
      %run_scoped3A = tpu.sem_alloc : memref<!tpu.dma_semaphore, #tpu.memory_space<semaphore_mem>>
      %dma_start3A_209 = arith.constant 0 : i32
      %dma_start3A_210 = tpu.memref_slice %arg4[%arg0, %arg1, %dma_start3A_209] : memref<2x16x16xf32, #tpu.memory_space<hbm>> -> memref<1x1x16xf32, #tpu.memory_space<hbm>>
      %dma_start3A_211 = tpu.memref_squeeze %dma_start3A_210 : memref<1x1x16xf32, #tpu.memory_space<hbm>> -> memref<16xf32, #tpu.memory_space<hbm>>
      %dma_start3A_212 = arith.constant 0 : i32
      %dma_start3A_213 = tpu.memref_slice %arg4[%arg0, %arg1, %dma_start3A_212] : memref<2x16x16xf32, #tpu.memory_space<hbm>> -> memref<1x1x16xf32, #tpu.memory_space<hbm>>
      %dma_start3A_214 = tpu.memref_squeeze %dma_start3A_213 : memref<1x1x16xf32, #tpu.memory_space<hbm>> -> memref<16xf32, #tpu.memory_space<hbm>>
      tpu.enqueue_dma source(%arg11 : memref<16xf32, #tpu.memory_space<vmem>>) target(%dma_start3A_214 : memref<16xf32, #tpu.memory_space<hbm>>) target_semaphore(%run_scoped3A : memref<!tpu.dma_semaphore, #tpu.memory_space<semaphore_mem>>)
      %dma_wait3A_215 = arith.constant 0 : i32
      %dma_wait3A_216 = tpu.memref_slice %arg4[%arg0, %arg1, %dma_wait3A_215] : memref<2x16x16xf32, #tpu.memory_space<hbm>> -> memref<1x1x16xf32, #tpu.memory_space<hbm>>
      %dma_wait3A_217 = tpu.memref_squeeze %dma_wait3A_216 : memref<1x1x16xf32, #tpu.memory_space<hbm>> -> memref<16xf32, #tpu.memory_space<hbm>>
      %dma_wait3A_218 = arith.constant 0 : i32
      %dma_wait3A_219 = tpu.memref_slice %arg4[%arg0, %arg1, %dma_wait3A_218] : memref<2x16x16xf32, #tpu.memory_space<hbm>> -> memref<1x1x16xf32, #tpu.memory_space<hbm>>
      %dma_wait3A_220 = tpu.memref_squeeze %dma_wait3A_219 : memref<1x1x16xf32, #tpu.memory_space<hbm>> -> memref<16xf32, #tpu.memory_space<hbm>>
      tpu.wait_dma2 semaphore(%run_scoped3A : memref<!tpu.dma_semaphore, #tpu.memory_space<semaphore_mem>>) src(%arg11 : memref<16xf32, #tpu.memory_space<vmem>>) dst(%dma_wait3A_220 : memref<16xf32, #tpu.memory_space<hbm>>)
      tpu.yield
    }) : () -> ()
    return
  }
}

</mosaic_0001>

<sc_bundles>
// kernel: kernel.3.cloned.1.call-start
scs
__scs_entry_jumppad:
0x0: {  	(pc) =	sbr.rel $0x88, $3  }
0x1: {  	(tag) =	ssettag $0x0;
	lr =	simm.s32 $0x1  }
0x2: {  	[smem:$0x3F9F] =	sst lr;
	_ =	strace $0xD0000000  }
0x3: {  	_ = 	snop  }
0x4: {  	_ = 	snop  }
0x5: {  	_ = 	snop  }
0x6: {  	_ = 	snop  }
0x7: {  	_ = 	snop  }
__scs_overlays_trampoline_lowered:
0x8: {  	[smem:$0x3FAE] =	sst s0  }
0x9: {  	[smem:$0x3FAF] =	sst s1  }
0xa: {  	[smem:$0x3FB0] =	sst s2  }
0xb: {  	[smem:$0x3FB1] =	sst s3  }
0xc: {  	[smem:$0x3FB2] =	sst s4  }
0xd: {  	[smem:$0x3FB3] =	sst s5  }
0xe: {  	[smem:$0x3FB4] =	sst s6  }
0xf: {  	[smem:$0x3FB5] =	sst s7  }
0x10: {  	[smem:$0x3FB6] =	sst s8  }
0x11: {  	[smem:$0x3FB7] =	sst s9;
	s0 =	simm.s32 @!p0 $0x0  }
0x12: {  	s1 =	sld [smem:$0x3F9D];
	s0 =	simm.s32 @p0 $0x1  }
0x13: {  	[smem:$0x3FB8] =	sst s0;
	s0 =	simm.s32 @!p1 $0x0  }
0x14: {  	s2 =	sld [smem:$0x3F9C];
	s0 =	simm.s32 @p1 $0x1  }
0x15: {  	[smem:$0x3FB9] =	sst s0;
	s0 =	simm.s32 @!p2 $0x0  }
0x16: {  	s3 =	sld [smem:$0x3FDB];
	s0 =	simm.s32 @p2 $0x1  }
0x17: {  	s4 =	simm.s32 $0x1BF5;
	[smem:$0x3FBB] =	sst s0  }
0x18: {  	s0 =	sld [smem:$0x3F9E];
	_ =	swait.ge [sflag:s4], $0x0  }
0x19: {  	s7 =	sld [smem:$0x3F9F]  }
0x1a: {  	s8 =	sadd.s32 $0xFFFFE003, lr  }
0x1b: {  	s9 =	sadd.s32 $0xFFFFFEF7, lr;
	s5 =	simm.s32 $0xFFFFFFFF;
	p2 =	slt.u32 s8, $0xFFFFF086  }
0x1c: {  	p1 =	slt.u32 s9, $0xF7A;
	s5 =	simm.s32 @!p2 $0x0  }
0x1d: {  	s5 =	simm.s32 @p1 $0x1;
	p0 =	seq.s32 s7, s2  }
0x1e: {  	s7 =	smul.u32 @!p0 $0xF7A, s2;
	p2 =	seq.s32 @!p0 s5, $0x0  }
0x1f: {  	s9 =	smul.u32 $0xF7A, s1;
	s8 =	simm.s32 @!p0 $0x1BF5;
	p2 =	por !p2, p0  }
0x20: {  	[sflag:s8] =	ssyncset.s32 @!p0 $0xFFFFF086;
	s6 =	sadd.s32 @!p0 s3, s7;
	s7 =	simm.s32 @!p0 $0x108  }
0x21: {  	s3 =	sadd.s32 s3, s9;
	s6 =	sadd.s32 @!p0 $0x88, s6;
	s7 =	simm.s32 @p2 $0x1082  }
0x22: {  	[simem:s7], [sflag:s8] =	dma.local @!p0 [hbm:s6], $0xF7A  }
0x23: {  	s9 =	sor.u32 $0xD0000000, s2;
	s6 =	simm.s32 $0x108;
	_ =	swait.ge @!p0 [sflag:s8], $0x0  }
0x24: {  	s3 =	sadd.s32 $0x88, s3;
	s6 =	simm.s32 @!p1 $0x1082;
	[sflag:s4] =	ssyncset.s32 $0xFFFFF086  }
0x25: {  	[simem:s6], [sflag:s4] =	dma.local [hbm:s3], $0xF7A  }
0x26: {  	[smem:$0x3F9F] =	sst s1;
	(tag) =	ssettag s2;
	_ =	strace s9  }
0x27: {  	s1 =	sld [smem:$0x3FAF]  }
0x28: {  	s2 =	sld [smem:$0x3FB0]  }
0x29: {  	s4 =	sld [smem:$0x3FB2]  }
0x2a: {  	p0 =	seq.s32 s5, $0x0;
	s5 =	sld [smem:$0x3FB3]  }
0x2b: {  	s6 =	sld [smem:$0x3FB4]  }
0x2c: {  	s7 =	sld [smem:$0x3FB5]  }
0x2d: {  	s3 =	simm.s32 $0x108;
	s8 =	sld [smem:$0x3FB6]  }
0x2e: {  	s3 =	simm.s32 @!p0 $0x1082;
	s9 =	sld [smem:$0x3FB7]  }
0x2f: {  	lr =	sadd.s32 s0, s3;
	s0 =	sld [smem:$0x3FAE]  }
0x30: {  	s3 =	sld [smem:$0x3FB1]  }
0x31: {  	[smem:$0x3FBA] =	sst s10  }
0x32: {  	s10 =	sld [smem:$0x3FB8];
	_ =	sdelay $0x3  }
0x33: {  	p0 =	seq.s32 s10, $0x1;
	s10 =	sld [smem:$0x3FBA];
	_ =	sdelay $0x3  }
0x34: {  	[smem:$0x3FBA] =	sst s10  }
0x35: {  	s10 =	sld [smem:$0x3FB9];
	_ =	sdelay $0x3  }
0x36: {  	p1 =	seq.s32 s10, $0x1;
	s10 =	sld [smem:$0x3FBA];
	_ =	sdelay $0x3  }
0x37: {  	[smem:$0x3FBA] =	sst s10  }
0x38: {  	s10 =	sld [smem:$0x3FBB]  }
0x39: {  	_ = 	snop;
	(pc) =	sbr.ind lr, $3  }
0x3a: {  	_ = 	snop  }
0x3b: {  	_ = 	snop  }
0x3c: {  	p2 =	seq.s32 s10, $0x1;
	s10 =	sld [smem:$0x3FBA]  }
0x3d: {  	_ =	shalt  }
0x3e: {  	_ =	shalt  }
0x3f: {  	_ =	shalt  }
0x40: {  	_ =	shalt  }
0x41: {  	_ =	shalt  }
0x42: {  	_ =	shalt  }
0x43: {  	_ =	shalt  }
0x44: {  	_ =	shalt  }
0x45: {  	_ =	shalt  }
0x46: {  	_ =	shalt  }
0x47: {  	_ =	shalt  }
0x48: {  	_ =	shalt  }
0x49: {  	_ =	shalt  }
0x4a: {  	_ =	shalt  }
0x4b: {  	_ =	shalt  }
0x4c: {  	_ =	shalt  }
0x4d: {  	_ =	shalt  }
0x4e: {  	_ =	shalt  }
0x4f: {  	_ =	shalt  }
0x50: {  	_ =	shalt  }
0x51: {  	_ =	shalt  }
0x52: {  	_ =	shalt  }
0x53: {  	_ =	shalt  }
0x54: {  	_ =	shalt  }
0x55: {  	_ =	shalt  }
0x56: {  	_ =	shalt  }
0x57: {  	_ =	shalt  }
0x58: {  	_ =	shalt  }
0x59: {  	_ =	shalt  }
0x5a: {  	_ =	shalt  }
0x5b: {  	_ =	shalt  }
0x5c: {  	_ =	shalt  }
0x5d: {  	_ =	shalt  }
0x5e: {  	_ =	shalt  }
0x5f: {  	_ =	shalt  }
0x60: {  	_ =	shalt  }
0x61: {  	_ =	shalt  }
0x62: {  	_ =	shalt  }
0x63: {  	_ =	shalt  }
0x64: {  	_ =	shalt  }
0x65: {  	_ =	shalt  }
0x66: {  	_ =	shalt  }
0x67: {  	_ =	shalt  }
0x68: {  	_ =	shalt  }
0x69: {  	_ =	shalt  }
0x6a: {  	_ =	shalt  }
0x6b: {  	_ =	shalt  }
0x6c: {  	_ =	shalt  }
0x6d: {  	_ =	shalt  }
0x6e: {  	_ =	shalt  }
0x6f: {  	_ =	shalt  }
0x70: {  	_ =	shalt  }
0x71: {  	_ =	shalt  }
0x72: {  	_ =	shalt  }
0x73: {  	_ =	shalt  }
0x74: {  	_ =	shalt  }
0x75: {  	_ =	shalt  }
0x76: {  	_ =	shalt  }
0x77: {  	_ =	shalt  }
0x78: {  	_ =	shalt  }
0x79: {  	_ =	shalt  }
0x7a: {  	_ =	shalt  }
0x7b: {  	_ =	shalt  }
0x7c: {  	_ =	shalt  }
0x7d: {  	_ =	shalt  }
0x7e: {  	_ =	shalt  }
0x7f: {  	_ =	shalt  }
0x80: {  	_ =	shalt  }
0x81: {  	_ =	shalt  }
0x82: {  	_ =	shalt  }
0x83: {  	_ =	shalt  }
0x84: {  	_ =	shalt  }
0x85: {  	_ =	shalt  }
0x86: {  	_ =	shalt  }
0x87: {  	_ =	shalt  }
.Lfunc_end0:
.L_simem_size_0:
called_computation_lowered:
.L_overlay_start_0:
0x88: {  	s2 =	sld [smem:$0x3FD9]  }
0x89: {  	s3 =	sld [smem:$0x3FFE];
	_ =	sdelay $0x1  }
0x8a: {  	s1 =	srdreg.scid  }
0x8b: {  	s0 =	sand.u32 $0x1, s1  }
0x8c: {  	s17 =	sshll.u32 s0, $0xA;
	s2 =	sadd.s32 s3, s2  }
0x8d: {  	s2 =	sadd.s32 s2, s17  }
0x8e: {  	[smem:$0x3FC6] =	sst s2  }
0x8f: {  	_ = 	snop  }
0x90: {  	s2 =	sld [smem:$0x3FC9];
	(tm) =	ssettm $0x1  }
0x91: {  	s18 =	sld [smem:$0x3FFB];
	_ =	sdelay $0x3  }
0x92: {  	_ =	strace s18  }
0x93: {  	s3 =	sld [smem:$0x3FFC];
	_ =	sdelay $0x3  }
0x94: {  	_ =	strace s3  }
0x95: {  	s3 =	sld [smem:$0x3FFD];
	_ =	sdelay $0x3  }
0x96: {  	_ =	strace s3  }
0x97: {  	_ =	strace $0x8FFFFFFF  }
0x98: {  	s19 =	sld [smem:$0x3FDB];
	_ =	sdelay $0x1  }
0x99: {  	s4 =	simm.s32 $_scs_section_size  }
0x9a: {  	s5 =	simm.s32 $_size__tile_overlayer_lowered;
	s6 =	simm.s32 $_tile_overlayer_lowered  }
0x9b: {  	s22 =	simm.s32 $0x1BFF;
	s21 =	sshll.u32 s6, $0x1;
	s3 =	sadd.s32 s4, s19  }
0x9c: {  	s7 =	simm.s32 $0x0;
	s20 =	sshll.u32 s5, $0x1;
	s5 =	sadd.s32 s21, s3  }
0x9d: {  	[timem:s7], [sflag:s22] =	dma.local [hbm:s5], s20  }
0x9e: {  	_ =	swait.ge [sflag:s22], s20  }
0x9f: {  	s4 =	ssub.s32 $0x0, s20;
	[sflag:s22] =	ssyncset.done $0x0  }
0xa0: {  	[sflag:s22] =	ssyncadd.s32 s4;
	_ =	sdelay $0x1  }
0xa1: {  	s23 =	simm.s32 $0x1B8B  }
0xa2: {  	_ =	swait.ge [sflag:s23], $0x1  }
0xa3: {  	[sflag:s23] =	ssyncset.done $0x0  }
0xa4: {  	s25 =	simm.s32 $0x1B8E;
	s24 =	sld [smem:$0x3FFE];
	[sflag:s23] =	ssyncadd.s32 $0xFFFFFFFF  }
0xa5: {  	s26 =	simm.s32 $execute0_lowered;
	[smem:$0x3FD2] =	sst s25  }
0xa6: {  	s5 =	sshll.u32 s26, $0x1;
	_ =	strace $0x80000046;
	[dreg:$0x1] =	wrdreg $0xFFFFFFFF  }
0xa7: {  	s28 =	simm.s32 $_size_execute0_lowered;
	s3 =	sadd.s32 s3, s5;
	[dreg:$0x0] =	wrdreg $0x0  }
0xa8: {  	s5 =	sshll.u32 s28, $0x1;
	[dreg:$0x2] =	wrdreg s3  }
0xa9: {  	[dreg:$0x3] =	wrdreg s5  }
0xaa: {  	[dreg:$0x4] =	wrdreg $0xC0  }
0xab: {  	_ =	task [dreg:s7], $0x5FFFF  }
0xac: {  	[dreg:$0x1] =	wrdreg $0xFFFFFFFF  }
0xad: {  	[dreg:$0x0] =	wrdreg $0x60  }
0xae: {  	[dreg:$0x2] =	wrdreg s2  }
0xaf: {  	[dreg:$0x3] =	wrdreg s24  }
0xb0: {  	[dreg:$0x4] =	wrdreg $0x9  }
0xb1: {  	_ =	task.clear_ibuf [dreg:s7], $0x5FFFF;
	_ =	strace $0x90000046  }
0xb2: {  	s29 =	simm.s32 $0x9;
	_ =	strace $0x80000048  }
0xb3: {  	_ =	swait.ge [sflag:s29], $0x1  }
0xb4: {  	[sflag:s29] =	ssyncadd.s32 $0xFFFFFFFF  }
0xb5: {  	_ =	strace $0x90000048  }
0xb6: {  	_ =	sfence  }
0xb7: {  	s30 =	sld [smem:$0x0];
	_ =	sdelay $0x2  }
0xb8: {  	s31 =	sshll.u32 s1, $0xD;
	s1 =	sshrl.u32 s1, $0x2  }
0xb9: {  	s3 =	sand.u32 $0x4000, s31;
	s1 =	sadd.s32 s1, s30  }
0xba: {  	s0 =	sor.u32 s3, s0;
	s1 =	sshll.u32 s1, $0x11  }
0xbb: {  	s0 =	sor.u32 s1, s0  }
0xbc: {  	s0 =	sadd.s32 $0x8F2B, s0  }
0xbd: {  	[sflag:s0] =	ssyncadd.remote.s32 $0x1  }
0xbe: {  	_ =	sfence.sel $0xFFFF  }
0xbf: {  	[dreg:$0x0] =	wrdreg $0xFFFFFFFF;
	(pc) =	sbr.abs _section_cstart, $3  }
0xc0: {  	[dreg:$0x1] =	wrdreg $0xFFFFFFFF  }
0xc1: {  	_ =	task.clear_ibuf [dreg:s7], $0x2FFFF;
	_ =	strace $0x9FFFFFFF  }
0xc2: {  	(tm) =	ssettm $0x7FFFFFFF  }
0xc3: {  	_ =	shalt  }
tec
execute0_lowered:
.L_overlay_start_1:
0x0: {  	(tag) =	ssettag $0x1  }
0x1: {  	s4 =	rddreg [dreg:$0x0]  }
0x2: {  	s5 =	rddreg [dreg:$0x1]  }
0x3: {  	s0 =	rddreg [dreg:$0x2];
	s2 =	simm.s32 $0x0  }
0x4: {  	s3 =	srdreg.scid;
	s1 =	stileid.u32;
	s14 =	simm.s32 $0x3  }
0x5: {  	s15 =	simm.s32 $0x6100;
	s16 =	simm.s32 $0x4000;
	s17 =	simm.s32 $0x8100  }
0x6: {  	s18 =	simm.s32 $0x8180;
	s19 =	simm.s32 $0x4;
	s20 =	simm.s32 $0x0  }
0x7: {  	[smem:$0x7FF] =	sst s2;
	s6 =	sand.u32 $0x1, s3;
	s24 =	sshll.u32 s1, $0x4  }
0x8: {  	s8 =	sshll.u32 s1, $0x1;
	s11 =	sshll.u32 s1, $0x8;
	_ =	strace $0x80000047  }
0x9: {  	s7 =	sshll.u32 s6, $0x5;
	s9 =	sadd.s32 s24, s5;
	s25 =	ssub.s32 $0x2, s6  }
0xa: {  	s12 =	sand.u32 $0x300, s11;
	s6 =	sshll.u32 s6, $0x8;
	s7 =	sor.u32 s8, s7  }
0xb: {  	s26 =	sshrl.u32 s25, $0x1;
	s6 =	sadd.s32 s6, s9;
	s9 =	simm.s32 $0x400  }
0xc: {  	s10 =	sshrl.u32 s7, $0x3;
	s7 =	sshll.u32 s7, $0xD;
	s8 =	ssub.s32 s25, s26  }
0xd: {  	s6 =	sadd.s32 $0x400, s6;
	s13 =	sshll.u32 s10, $0x10;
	s28 =	sor.u32 s7, s11  }
0xe: {  	s10 =	sshll.u32 s10, $0xA;
	s29 =	sor.u32 s12, s13;
	s11 =	sand.u32 $0x70300, s28  }
.Ltmp0:
0xf: {  	s10 =	sor.u32 s12, s10;
	s12 =	simm.s32 $0x1;
	(pc) =	sbr.rel .LBB2_1-.Ltmp0, $4  }
0x10: {  	s13 =	simm.s32 $0x2;
	s7 =	sshrl.u32 s29, $0x3;
	s30 =	sshrl.u32 s11, $0x3  }
0x11: {  	s31 =	sshrl.u32 s10, $0x3;
	s10 =	simm.s32 $0x2000;
	s11 =	simm.s32 $0x6000  }
0x12: {  	v0 =	vlaneseq.u32;
	s3 =	sadd.s32 s4, s7;
	s4 =	sadd.s32 s30, s4;
	s5 =	sadd.s32 s5, s31  }
0x13: {  	v2 =	vimm.f32 $0.0e+00;
	v3 =	vimm.f32 $-1.000000020e+30;
	v1 =	vor.u32 $0x10, v0;
	s7 =	smax.u32 s8, $0x1;
	s8 =	simm.s32 $0x80;
	s4 =	sadd.s32 $0x10, s4  }
.LBB2_18:
0x14: {  	v7 =	vmov s21  }
0x15: {  	v7 =	vmul.f32 $2.048000000e+03, v7;
	_ =	sdelay $0x1  }
0x16: {  	(erf) = vrcp.f32 v7;
	_ =	sdelay $0x7  }
0x17: {  	v4 =	vmul.f32 v4, v5  }
0x18: {  	v5 =	vpop (erf)  }
0x19: {  	v4 =	vadd.f32 $0.0e+00, v4;
	v5 =	vmul.f32 v6, v5;
	_ =	sdelay $0x1  }
0x1a: {  	s20 =	sadd.s32 $0x1, s20;
	v4 =	vadd.f32 v5, v4  }
0x1b: {  	p0 =	sne.s32 s20, s7  }
.Ltmp1:
0x1c: {  	[tilespmem:$0x8180] =	vst v4;
	(pc) =	sbr.rel @!p0 .LBB2_19-.Ltmp1, $4  }
0x1d: {  	[hbm4b:s6+s2] =	stream.linear.scatter [tilespmem:s18], [sflag:$0x4], $0x80, $0x38;
	[tilespmem:$0x8200] =	vst v63  }
0x1e: {  	_ =	swait.ge [sflag:s19], $0x80  }
0x1f: {  	[sflag:s19] =	ssyncset.done $0x0  }
0x20: {  	[sflag:s19] =	ssyncadd.s32 $0xFFFFFF80  }
.LBB2_1:
0x21: {  	[tilespmem:s2], [sflag:$0x1] =	stream.strided.gather [hbm4b:s3+s8], $0x2000, s9, s8, $0x38;
	[tilespmem:$0x8200] =	vst v63  }
0x22: {  	_ = 	snop  }
0x23: {  	[tilespmem:s10], [sflag:$0x2] =	stream.strided.gather [hbm4b:s4+s8], $0x2000, s9, s8, $0x38;
	[tilespmem:$0x8200] =	vst v63  }
0x24: {  	_ = 	snop  }
0x25: {  	[tilespmem:s11], [sflag:$0x3] =	stream.linear.gather [hbm4b:s5+s2], $0x100, $0x38;
	[tilespmem:$0x8200] =	vst v63  }
0x26: {  	_ =	swait.ge [sflag:s12], $0x2000  }
0x27: {  	[sflag:s12] =	ssyncset.done $0x0  }
0x28: {  	[sflag:s12] =	ssyncadd.s32 $0xFFFFE000  }
0x29: {  	_ =	swait.ge [sflag:s13], $0x2000  }
0x2a: {  	[sflag:s13] =	ssyncset.done $0x0  }
0x2b: {  	s22 =	simm.s32 $0x40;
	[sflag:s13] =	ssyncadd.s32 $0xFFFFE000  }
0x2c: {  	s21 =	simm.s32 $0x2040;
	v7 =	vld [tilespmem:s22+$0xFFFFFFC0]  }
0x2d: {  	v8 =	vld [tilespmem:s21+$0xFFFFFFC0]  }
0x2e: {  	v12 =	vld [tilespmem:s22+$0xFFFFFFD0]  }
0x2f: {  	v13 =	vld [tilespmem:s21+$0xFFFFFFD0]  }
0x30: {  	v17 =	vld [tilespmem:s22+$0xFFFFFFE0]  }
0x31: {  	v18 =	vld [tilespmem:s21+$0xFFFFFFE0];
	v4 =	vadd.f32 v7, v2  }
0x32: {  	v9 =	vld [tilespmem:s22+$0xFFFFFFF0];
	v6 =	vadd.f32 v8, v2  }
0x33: {  	v5 =	vld [tilespmem:s21+$0xFFFFFFF0];
	v4 =	vadd.f32 v12, v4  }
0x34: {  	v10 =	vld [tilespmem:s22+$0x0];
	v6 =	vadd.f32 v13, v6  }
0x35: {  	v14 =	vadd.f32 v17, v4;
	v4 =	vld [tilespmem:s21+$0x0]  }
0x36: {  	v11 =	vld [tilespmem:s22+$0x10];
	v15 =	vadd.f32 v18, v6  }
0x37: {  	v6 =	vld [tilespmem:s21+$0x10];
	v16 =	vadd.f32 v9, v14  }
0x38: {  	v19 =	vimm.f32 $1.000000020e+30;
	v15 =	vadd.f32 v5, v15;
	v14 =	vld [tilespmem:s22+$0x20]  }
0x39: {  	v20 =	vmin.f32 v19, v7;
	v8 =	vmin.f32 v19, v8;
	v7 =	vld [tilespmem:s21+$0x20];
	v19 =	vadd.f32 v10, v16  }
0x3a: {  	v8 =	vmin.f32 v8, v13;
	v12 =	vmin.f32 v20, v12;
	v16 =	vld [tilespmem:s22+$0x30];
	v15 =	vadd.f32 v4, v15  }
0x3b: {  	s23 =	simm.s32 $0xC0;
	v21 =	vmin.f32 v12, v17;
	v17 =	vmin.f32 v8, v18;
	v8 =	vld [tilespmem:s21+$0x30];
	s22 =	simm.s32 $0x0;
	v20 =	vadd.f32 v11, v19  }
.LBB2_2:
0x3c: {  	v12 =	vld [tilespmem:s23+$0xFFFFFFC0];
	v9 =	vmin.f32 v21, v9;
	v5 =	vmin.f32 v17, v5;
	v13 =	vadd.f32 v6, v15;
	s21 =	sadd.s32 $0x80, s21  }
0x3d: {  	s22 =	sadd.s32 $0x8, s22;
	v15 =	vld [tilespmem:s21+$0xFFFFFFC0];
	v9 =	vmin.f32 v9, v10;
	v4 =	vmin.f32 v5, v4;
	v5 =	vadd.f32 v14, v20  }
0x3e: {  	p0 =	slt.u32 s22, $0x1F8;
	v17 =	vld [tilespmem:s23+$0xFFFFFFD0];
	v9 =	vmin.f32 v9, v11;
	v4 =	vmin.f32 v4, v6;
	v6 =	vadd.f32 v7, v13  }
0x3f: {  	v13 =	vld [tilespmem:s21+$0xFFFFFFD0];
	v9 =	vmin.f32 v9, v14;
	v4 =	vmin.f32 v4, v7;
	v5 =	vadd.f32 v16, v5  }
0x40: {  	v18 =	vld [tilespmem:s23+$0xFFFFFFE0];
	v7 =	vmin.f32 v9, v16;
	v6 =	vadd.f32 v8, v6;
	v8 =	vmin.f32 v4, v8  }
0x41: {  	v4 =	vadd.f32 v12, v5;
	v19 =	vld [tilespmem:s21+$0xFFFFFFE0]  }
0x42: {  	v6 =	vadd.f32 v15, v6;
	v9 =	vld [tilespmem:s23+$0xFFFFFFF0]  }
0x43: {  	v4 =	vadd.f32 v17, v4;
	v5 =	vld [tilespmem:s21+$0xFFFFFFF0]  }
0x44: {  	v6 =	vadd.f32 v13, v6;
	v10 =	vld [tilespmem:s23+$0x0]  }
0x45: {  	v14 =	vadd.f32 v18, v4;
	v4 =	vld [tilespmem:s21+$0x0]  }
0x46: {  	v16 =	vadd.f32 v19, v6;
	v11 =	vld [tilespmem:s23+$0x10]  }
.Ltmp2:
0x47: {  	v20 =	vadd.f32 v9, v14;
	v6 =	vld [tilespmem:s21+$0x10];
	(pc) =	sbr.rel @p0 .LBB2_2-.Ltmp2, $4  }
0x48: {  	v16 =	vadd.f32 v5, v16;
	v14 =	vld [tilespmem:s23+$0x20]  }
0x49: {  	v12 =	vmin.f32 v7, v12;
	v8 =	vmin.f32 v8, v15;
	v20 =	vadd.f32 v10, v20;
	v7 =	vld [tilespmem:s21+$0x20]  }
0x4a: {  	v12 =	vmin.f32 v12, v17;
	v8 =	vmin.f32 v8, v13;
	v15 =	vadd.f32 v4, v16;
	v16 =	vld [tilespmem:s23+$0x30]  }
0x4b: {  	v21 =	vmin.f32 v12, v18;
	v17 =	vmin.f32 v8, v19;
	s23 =	sadd.s32 $0x80, s23;
	v20 =	vadd.f32 v11, v20;
	v8 =	vld [tilespmem:s21+$0x30]  }
0x4c: {  	_ =	swait.ge [sflag:s14], $0x100  }
0x4d: {  	[sflag:s14] =	ssyncset.done $0x0  }
0x4e: {  	[sflag:s14] =	ssyncadd.s32 $0xFFFFFF00  }
0x4f: {  	v12 =	vld [tilespmem:$0x6000]  }
0x50: {  	v13 =	vld [tilespmem:$0x6010];
	_ =	sdelay $0x6  }
0x51: {  	[tilespmem:v12+s15+$0x0] =	vst.idx.msk $0xffff, v0  }
0x52: {  	[tilespmem:v13+s15+$0x0] =	vst.idx.msk $0xffff, v1  }
0x53: {  	v22 =	vld.idx.msk [tilespmem:v12+s15+$0x0], $0xffff  }
0x54: {  	v23 =	vld.idx.msk [tilespmem:v13+s15+$0x0], $0xffff  }
0x55: {  	v18 =	vld.idx.msk [tilespmem:v12+s2+$0x0], $0xffff  }
0x56: {  	v19 =	vld.idx.msk [tilespmem:v13+s2+$0x0], $0xffff;
	_ =	sdelay $0x2  }
0x57: {  	vm0 =	veq.s32 v22, v0;
	vm1 =	veq.s32 v23, v1  }
0x58: {  	v22 =	vsel vm0, $0x3F800000, v2;
	v23 =	vsel vm1, $0x3F800000, v2  }
0x59: {  	v24 =	vmul.f32 v18, v22;
	v25 =	vmul.f32 v19, v23  }
0x5a: {  	v22 =	vadd.f32 v23, v22  }
0x5b: {  	v20 =	vadd.f32 v14, v20;
	v54 =	vadd.f32 v25, v24  }
0x5c: {  	(xrf2) =	vadd.scan.msk.f32 $0xffff, v22  }
0x5d: {  	v20 =	vadd.f32 v16, v20;
	(xrf2) =	vadd.scan.msk.f32 $0xffff, v54;
	_ =	sdelay $0x1  }
0x5e: {  	v9 =	vmin.f32 v21, v9;
	(xrf2) =	vadd.scan.msk.f32 $0xffff, v20  }
0x5f: {  	v9 =	vmin.f32 v9, v10  }
0x60: {  	v9 =	vmin.f32 v9, v11;
	v55 =	vmax.f32 v18, v19  }
0x61: {  	v9 =	vmin.f32 v9, v14;
	(xrf0) =	vmax.scan.msk.f32 $0xffff, v55  }
0x62: {  	v9 =	vmin.f32 v9, v16  }
0x63: {  	(xrf0) =	vmin.scan.msk.f32 $0xffff, v9;
	_ =	sdelay $0x1  }
0x64: {  	v56, _, _ =	vpop (xrf2)  }
0x65: {  	(v2sf) =	vpush v56, $0xF;
	v57, _, _ =	vpop (xrf2)  }
0x66: {  	v58, _, _ =	vpop (xrf0);
	(v2sf) =	vpush v57, $0xF  }
0x67: {  	v59, _, _ =	vpop (xrf2);
	(v2sf) =	vpush v58, $0xF  }
0x68: {  	v60, _, _ =	vpop (xrf0);
	(v2sf) =	vpush v59, $0xF  }
0x69: {  	(v2sf) =	vpush v60, $0xF;
	_ =	sdelay $0xa  }
0x6a: {  	s21 =	spop (v2sf)  }
0x6b: {  	s22 =	spop (v2sf)  }
0x6c: {  	s23 =	spop (v2sf)  }
0x6d: {  	s24 =	spop (v2sf)  }
0x6e: {  	s22 =	ssub.f32 s24, s22;
	s31 =	spop (v2sf)  }
0x6f: {  	s24 =	sadd.f32 $1.000000000e+01, s31  }
0x70: {  	v61 =	vsub.f32 $1.000000000e+01, v18;
	v62 =	vsub.f32 $1.000000000e+01, v19;
	s21 =	ssub.f32 $8.192000000e+03, s21  }
0x71: {  	s23 =	ssub.f32 s24, s23  }
0x72: {  	v9 =	vmul.f32 s21, v61;
	v10 =	vmul.f32 s21, v62  }
0x73: {  	v63 =	vadd.f32 v6, v15;
	p0 =	sge.f32 s23, $0.0e+00  }
.Ltmp3:
0x74: {  	v5 =	vmin.f32 v17, v5;
	v9 =	vadd.f32 s22, v9;
	v10 =	vadd.f32 s22, v10;
	(pc) =	sbr.rel @p0 .LBB2_11-.Ltmp3, $4  }
0x75: {  	v4 =	vmin.f32 v5, v4  }
0x76: {  	v5 =	vmin.f32 v4, v6;
	v6 =	vadd.f32 v7, v63;
	v4 =	vadd.f32 v10, v9  }
0x77: {  	v5 =	vmin.f32 v5, v7  }
0x78: {  	v6 =	vadd.f32 v8, v6;
	v5 =	vmin.f32 v5, v8;
	[tilespmem:$0x8180] =	vst v4  }
0x79: {  	[tilespmem:$0x8100] =	vst v18  }
0x7a: {  	[tilespmem:$0x8110] =	vst v19;
	s22 =	simm.s32 $0x0  }
0x7b: {  	s23 =	simm.s32 $0x40;
	v4 =	vld [tilespmem:s22+$0x0]  }
.LBB2_5:
0x7c: {  	p0 =	sne.s32 s23, $0x7FC0  }
.Ltmp4:
0x7d: {  	_ = 	snop;
	(pc) =	sbr.rel @p0 .LBB2_5-.Ltmp4, $3  }
0x7e: {  	_ =	sdelay $0x1  }
0x7f: {  	[tilespmem:s22+$0x4000] =	vst v4;
	s22 =	sshra.s32 s23, $0x2;
	s23 =	sadd.s32 $0x40, s23  }
0x80: {  	v4 =	vld [tilespmem:s22+$0x0]  }
0x81: {  	_ =	sdelay $0x3  }
0x82: {  	[tilespmem:s22+$0x4000] =	vst v4  }
0x83: {  	[tilespmem:v12+s16+$0x0] =	vst.idx.msk $0xffff, v3  }
0x84: {  	s22 =	simm.s32 $0x0;
	v4 =	vimm.f32 $0.0e+00;
	[tilespmem:v13+s16+$0x0] =	vst.idx.msk $0xffff, v3  }
.LBB2_7:
0x85: {  	v7 =	vmov s22;
	_ =	sdelay $0x4  }
0x86: {  	v7 =	vld.idx.msk [tilespmem:v7+s17+$0x0], $0xffff;
	_ =	sdelay $0x3  }
0x87: {  	s24 =	simm.s32 $0x0  }
0x88: {  	s23 =	simm.s32 $0x40;
	v8 =	vimm.f32 $0.0e+00;
	v9 =	vld [tilespmem:s24+$0x4000];
	v7 =	vsub.f32 $1.000000000e+01, v7  }
.LBB2_8:
0x89: {  	_ =	sdelay $0x1  }
0x8a: {  	p0 =	sne.s32 s23, $0x7FC0  }
.Ltmp5:
0x8b: {  	_ = 	snop;
	(pc) =	sbr.rel @p0 .LBB2_8-.Ltmp5, $3  }
0x8c: {  	v10 =	vadd.f32 v9, v7;
	_ =	sdelay $0x1  }
0x8d: {  	s24 =	sshra.s32 s23, $0x2;
	v10 =	vmax.f32 v10, $0.0e+00  }
0x8e: {  	s23 =	sadd.s32 $0x40, s23;
	v9 =	vld [tilespmem:s24+$0x4000];
	v8 =	vadd.f32 v10, v8  }
0x8f: {  	_ =	sdelay $0x2  }
0x90: {  	s22 =	sadd.s32 $0x1, s22  }
0x91: {  	p0 =	sne.s32 s22, $0x20;
	v7 =	vadd.f32 v9, v7  }
.Ltmp6:
0x92: {  	_ = 	snop;
	(pc) =	sbr.rel @p0 .LBB2_7-.Ltmp6, $3  }
0x93: {  	v7 =	vmax.f32 v7, $0.0e+00  }
0x94: {  	v7 =	vadd.f32 v7, v8;
	_ =	sdelay $0x1  }
0x95: {  	v4 =	vadd.f32 v7, v4  }
0x96: {  	_ = 	snop  }
0x97: {  	[tilespmem:$0x8180] =	vst v4  }
.LBB2_11:
0x98: {  	v7 =	vld [tilespmem:$0x6080]  }
0x99: {  	v8 =	vld [tilespmem:$0x6090];
	_ =	sdelay $0x6  }
0x9a: {  	[tilespmem:v7+s15+$0x0] =	vst.idx.msk $0xffff, v0  }
0x9b: {  	[tilespmem:v8+s15+$0x0] =	vst.idx.msk $0xffff, v1  }
0x9c: {  	v11 =	vld.idx.msk [tilespmem:v7+s15+$0x0], $0xffff  }
0x9d: {  	v12 =	vld.idx.msk [tilespmem:v8+s15+$0x0], $0xffff  }
0x9e: {  	v9 =	vld.idx.msk [tilespmem:v7+s10+$0x0], $0xffff  }
0x9f: {  	v10 =	vld.idx.msk [tilespmem:v8+s10+$0x0], $0xffff;
	_ =	sdelay $0x2  }
0xa0: {  	vm0 =	veq.s32 v11, v0;
	vm1 =	veq.s32 v12, v1  }
0xa1: {  	v11 =	vsel vm0, $0x3F800000, v2;
	v12 =	vsel vm1, $0x3F800000, v2  }
0xa2: {  	v13 =	vmul.f32 v9, v11;
	v14 =	vmul.f32 v10, v12  }
0xa3: {  	v11 =	vadd.f32 v12, v11  }
0xa4: {  	v63 =	vadd.f32 v14, v13  }
0xa5: {  	(xrf2) =	vadd.scan.msk.f32 $0xffff, v11  }
0xa6: {  	(xrf2) =	vadd.scan.msk.f32 $0xffff, v63;
	_ =	sdelay $0x1  }
0xa7: {  	(xrf2) =	vadd.scan.msk.f32 $0xffff, v6;
	_ =	sdelay $0x1  }
0xa8: {  	v6 =	vmax.f32 v9, v10  }
0xa9: {  	(xrf0) =	vmax.scan.msk.f32 $0xffff, v6;
	_ =	sdelay $0x1  }
0xaa: {  	(xrf0) =	vmin.scan.msk.f32 $0xffff, v5;
	_ =	sdelay $0x1  }
0xab: {  	v5, _, _ =	vpop (xrf2)  }
0xac: {  	(v2sf) =	vpush v5, $0xF;
	v6, _, _ =	vpop (xrf2)  }
0xad: {  	v5, _, _ =	vpop (xrf0);
	(v2sf) =	vpush v6, $0xF  }
0xae: {  	(v2sf) =	vpush v5, $0xF;
	v5, _, _ =	vpop (xrf2)  }
0xaf: {  	(v2sf) =	vpush v5, $0xF;
	v5, _, _ =	vpop (xrf0)  }
0xb0: {  	(v2sf) =	vpush v5, $0xF;
	_ =	sdelay $0xa  }
0xb1: {  	s30 =	spop (v2sf)  }
0xb2: {  	s22 =	spop (v2sf)  }
0xb3: {  	v5 =	vmov s21;
	s23 =	spop (v2sf)  }
0xb4: {  	v5 =	vmul.f32 $2.048000000e+03, v5;
	s24 =	spop (v2sf)  }
0xb5: {  	s22 =	ssub.f32 s24, s22;
	s31 =	spop (v2sf)  }
0xb6: {  	(erf) = vrcp.f32 v5;
	s24 =	sadd.f32 $1.000000000e+01, s31  }
0xb7: {  	v6 =	vsub.f32 $1.000000000e+01, v10;
	v5 =	vsub.f32 $1.000000000e+01, v9;
	s21 =	ssub.f32 $8.192000000e+03, s30  }
0xb8: {  	s23 =	ssub.f32 s24, s23  }
0xb9: {  	v5 =	vmul.f32 s21, v5;
	v6 =	vmul.f32 s21, v6  }
0xba: {  	p0 =	sge.f32 s23, $0.0e+00  }
.Ltmp7:
0xbb: {  	v5 =	vadd.f32 s22, v5;
	v6 =	vadd.f32 s22, v6;
	(pc) =	sbr.rel @p0 .LBB2_18-.Ltmp7, $3  }
0xbc: {  	_ = 	snop  }
0xbd: {  	v6 =	vadd.f32 v6, v5;
	_ =	sdelay $0x1  }
0xbe: {  	v5 =	vpop (erf);
	[tilespmem:$0x8180] =	vst v6  }
0xbf: {  	[tilespmem:$0x8100] =	vst v9  }
0xc0: {  	[tilespmem:$0x8110] =	vst v10;
	s22 =	simm.s32 $0x0  }
0xc1: {  	s23 =	simm.s32 $0x40;
	v6 =	vld [tilespmem:s22+$0x2000]  }
.LBB2_13:
0xc2: {  	p0 =	sne.s32 s23, $0x7FC0  }
.Ltmp8:
0xc3: {  	_ = 	snop;
	(pc) =	sbr.rel @p0 .LBB2_13-.Ltmp8, $3  }
0xc4: {  	_ =	sdelay $0x1  }
0xc5: {  	[tilespmem:s22+$0x4000] =	vst v6;
	s22 =	sshra.s32 s23, $0x2;
	s23 =	sadd.s32 $0x40, s23  }
0xc6: {  	v6 =	vld [tilespmem:s22+$0x2000]  }
0xc7: {  	_ =	sdelay $0x3  }
0xc8: {  	[tilespmem:s22+$0x4000] =	vst v6  }
0xc9: {  	[tilespmem:v7+s16+$0x0] =	vst.idx.msk $0xffff, v3  }
0xca: {  	s22 =	simm.s32 $0x0;
	v6 =	vimm.f32 $0.0e+00;
	[tilespmem:v8+s16+$0x0] =	vst.idx.msk $0xffff, v3  }
.LBB2_15:
0xcb: {  	v7 =	vmov s22;
	_ =	sdelay $0x4  }
0xcc: {  	v7 =	vld.idx.msk [tilespmem:v7+s17+$0x0], $0xffff;
	_ =	sdelay $0x3  }
0xcd: {  	s24 =	simm.s32 $0x0  }
0xce: {  	s23 =	simm.s32 $0x40;
	v8 =	vimm.f32 $0.0e+00;
	v9 =	vld [tilespmem:s24+$0x4000];
	v7 =	vsub.f32 $1.000000000e+01, v7  }
.LBB2_16:
0xcf: {  	_ =	sdelay $0x1  }
0xd0: {  	p0 =	sne.s32 s23, $0x7FC0  }
.Ltmp9:
0xd1: {  	_ = 	snop;
	(pc) =	sbr.rel @p0 .LBB2_16-.Ltmp9, $3  }
0xd2: {  	v10 =	vadd.f32 v9, v7;
	_ =	sdelay $0x1  }
0xd3: {  	s24 =	sshra.s32 s23, $0x2;
	v10 =	vmax.f32 v10, $0.0e+00  }
0xd4: {  	s23 =	sadd.s32 $0x40, s23;
	v9 =	vld [tilespmem:s24+$0x4000];
	v8 =	vadd.f32 v10, v8  }
0xd5: {  	_ =	sdelay $0x2  }
0xd6: {  	s22 =	sadd.s32 $0x1, s22  }
0xd7: {  	p0 =	sne.s32 s22, $0x20;
	v7 =	vadd.f32 v9, v7  }
.Ltmp10:
0xd8: {  	_ = 	snop;
	(pc) =	sbr.rel @p0 .LBB2_15-.Ltmp10, $4  }
.Ltmp11:
0xd9: {  	v7 =	vmax.f32 v7, $0.0e+00;
	(pc) =	sbr.rel @!p0 .LBB2_18-.Ltmp11, $4  }
0xda: {  	v7 =	vadd.f32 v7, v8  }
0xdb: {  	_ = 	snop  }
0xdc: {  	v6 =	vadd.f32 v7, v6  }
0xdd: {  	_ = 	snop  }
.LBB2_19:
0xde: {  	_ =	sfence.sel $0x180000  }
0xdf: {  	[bflag:$0x0] =	sbarrier.arrive $0xFFFF  }
0xe0: {  	p0 =	sne.s32 s1, $0x0;
	_ =	strace $0x90000047  }
0xe1: {  	s0 =	sadd.s32 @!p0 $0x100000, s0;
	[bflag:$0x2] =	sbarrier.arrive $0xFFFF  }
0xe2: {  	[sflag:s0] =	ssyncadd.tile.s32 @!p0 $0x1;
	_ =	shalt  }
.Lfunc_end2:
_tile_overlayer_lowered:
.L_overlay_start_2:
0xe3: {  	(tag) =	ssettag $0x2  }
0xe4: {  	s0 =	rddreg [dreg:$0x0];
	s2 =	stileid.u32  }
0xe5: {  	s1 =	rddreg [dreg:$0x1];
	p0 =	sne.s32 s2, $0x0  }
0xe6: {  	s3 =	rddreg [dreg:$0x2];
	[bflag:$0x3] =	sbarrier.arrive $0xFFFF;
	s2 =	simm.s32 @!p0 $0x1C04  }
0xe7: {  	[timem:s3], [sflag:s2] =	dma.local @!p0 [hbm:s0], s1  }
0xe8: {  	s0 =	simm.s32 @!p0 $0x4  }
0xe9: {  	_ =	swait.ge @!p0 [sflag:s0], s1  }
0xea: {  	s1 =	ssub.s32 @!p0 $0x0, s1;
	[sflag:s0] =	ssyncset.done @!p0 $0x0  }
0xeb: {  	[sflag:s0] =	ssyncadd.s32 @!p0 s1  }
0xec: {  	[bflag:$0x3] =	sbarrier.arrive $0xFFFF  }
0xed: {  	_ =	shalt  }

</sc_bundles>
